<compile_context>
chip_gen: v7x
topology: tpu7x:2x2x1
jax: 0.10.2.dev20260603
libtpu: 0.0.44.dev20260713+nightly
codegen_flags: <defaults>
</compile_context>

<pallas_src>
import functools

import jax
import jax.numpy as jnp
from jax import lax
from jax.experimental import pallas as pl
from jax.experimental.pallas import tpu as pltpu
from jax.experimental.pallas import tpu_sc as plsc

VOCAB = 1_000_000
EMBED_DIM = 32
BATCH = 4096
SEQ = 200
LANES = 16

NUM_CORES = 2
NUM_SUBCORES = 16
NW = NUM_CORES * NUM_SUBCORES
BPW = BATCH // NW
NSUB = 2
CHUNK = SEQ // NSUB
RUNROLL = 4


def _sc_classifier(ids_r, embedding, fc_w, fc_b):
    mesh = plsc.VectorSubcoreMesh(core_axis_name="c", subcore_axis_name="s")

    @functools.partial(
        pl.kernel,
        mesh=mesh,
        out_type=jax.ShapeDtypeStruct((NW, BPW // LANES, LANES), jnp.float32),
        scratch_types=[
            pltpu.VMEM((BPW, NSUB, CHUNK), jnp.int32),
            pltpu.VMEM((CHUNK, EMBED_DIM), jnp.float32),
            pltpu.VMEM((CHUNK, EMBED_DIM), jnp.float32),
            pltpu.VMEM((BPW // LANES, LANES), jnp.float32),
            pltpu.VMEM((1, EMBED_DIM), jnp.float32),
            pltpu.VMEM((LANES,), jnp.float32),
            pltpu.SemaphoreType.DMA,
        ],
        compiler_params=pltpu.CompilerParams(
            needs_layout_passes=False, use_tc_tiling_on_sc=False),
    )
    def k(ids_hbm, emb_hbm, fcw_hbm, fcb_hbm, out_hbm,
          idx_v, rows0_v, rows1_v, out_v, w_v, b_v, sem):
        wid = lax.axis_index("s") * NUM_CORES + lax.axis_index("c")
        pltpu.sync_copy(ids_hbm.at[wid], idx_v)
        pltpu.sync_copy(fcw_hbm, w_v)
        pltpu.sync_copy(fcb_hbm, b_v.at[pl.ds(0, 1)])
        w_lo = w_v[0, pl.ds(0, LANES)]
        w_hi = w_v[0, pl.ds(LANES, LANES)]
        b_vec_raw = b_v[pl.ds(0, LANES)]
        bias_vec = jnp.full((LANES,), b_vec_raw[0], jnp.float32) * (1.0 / LANES)
        inv_seq = 1.0 / SEQ
        lane_ids = lax.iota(jnp.int32, LANES)

        def row_body(b, res):
            rows_refs = (rows0_v, rows1_v)
            copies = [
                pltpu.async_copy(emb_hbm.at[idx_v.at[b, j]], rows_refs[j], sem)
                for j in range(NSUB)
            ]
            for c in copies:
                c.wait()

            zero = jnp.zeros((LANES,), jnp.float32)
            accs = (zero,) * (2 * RUNROLL)

            def red_body(r, accs):
                a = list(accs)
                for u in range(RUNROLL):
                    row = r * RUNROLL + u
                    for j in range(NSUB):
                        rr = rows_refs[j]
                        a[u] = a[u] + rr[row, pl.ds(0, LANES)]
                        a[RUNROLL + u] = (
                            a[RUNROLL + u] + rr[row, pl.ds(LANES, LANES)]
                        )
                return tuple(a)

            accs = lax.fori_loop(0, CHUNK // RUNROLL, red_body, accs)
            acc_lo = (accs[0] + accs[1]) + (accs[2] + accs[3])
            acc_hi = (accs[4] + accs[5]) + (accs[6] + accs[7])
            t = (acc_lo * w_lo + acc_hi * w_hi) * inv_seq + bias_vec
            s = jnp.sum(t)
            res = jnp.where(lane_ids == b % LANES,
                            jnp.full((LANES,), s, jnp.float32), res)

            @pl.when(b % LANES == LANES - 1)
            def _():
                out_v[b // LANES] = res

            return res

        lax.fori_loop(0, BPW, row_body, jnp.zeros((LANES,), jnp.float32))
        pltpu.sync_copy(out_v, out_hbm.at[wid])

    return k(ids_r, embedding, fc_w, fc_b)


def kernel(input_ids, embedding, fc_w, fc_b):
    ids_r = input_ids.reshape(NW, BPW, NSUB, CHUNK)
    out = _sc_classifier(ids_r, embedding, fc_w, fc_b)
    return out.reshape(BATCH, 1)

# --- scband reference (transcript-rebuilt; emitter-appended) ---
"""Pipeline reference for scband-sentiment-classifier-17686675325371 (READ-ONLY COPY).

The authoritative reference and input builder live on the scoring server;
editing this copy changes nothing except your own understanding.
"""

import jax, jax.numpy as jnp
import numpy as np

VOCAB = 1000000
EMBED_DIM = 32
BATCH = 4096
SEQ = 200
OUT_DIM = 1

def setup_inputs(seed: int = 0) -> dict:
    key = jax.random.key(seed)
    k1, k2, k3, k4 = jax.random.split(key, 4)
    input_ids = jax.random.randint(k1, (BATCH, SEQ), 0, VOCAB, dtype=jnp.int64 if jax.config.jax_enable_x64 else jnp.int32)
    embedding = jax.random.normal(k2, (VOCAB, EMBED_DIM), dtype=jnp.float32) * 0.02
    fc_w = jax.random.normal(k3, (OUT_DIM, EMBED_DIM), dtype=jnp.float32) * (1.0 / np.sqrt(EMBED_DIM))
    fc_b = jax.random.normal(k4, (OUT_DIM,), dtype=jnp.float32) * 0.01
    return {"input_ids": input_ids, "embedding": embedding, "fc_w": fc_w, "fc_b": fc_b}

def reference(input_ids, embedding, fc_w, fc_b):
    # nn.Embedding lookup (padding_idx only affects grads, forward is a plain gather)
    embeds = jnp.take(embedding, input_ids, axis=0)            # [B, L, D]
    mean_embeds = jnp.mean(embeds, axis=1)                     # [B, D]
    logits = mean_embeds @ fc_w.T + fc_b                       # [B, out_dim]
    return logits

if __name__ == "__main__":
    import jax
    _d = setup_inputs()
    print(jax.jit(kernel)(*tuple(_d.values())))

</pallas_src>

<mosaic_0001>
#map = affine_map<(d0, d1) -> (0, 0, 0, 0)>
#map1 = affine_map<(d0, d1) -> (0, 0)>
#map2 = affine_map<(d0, d1) -> (0)>
#map3 = affine_map<(d0, d1) -> (0, 0, 0)>
module attributes {stable_mosaic.version = 14 : i64} {
  func.func @k(%arg0: i32, %arg1: i32, %arg2: memref<32x128x2x100xi32, #tpu.memory_space<hbm>>, %arg3: memref<1000000x32xf32, #tpu.memory_space<hbm>>, %arg4: memref<1x32xf32, #tpu.memory_space<hbm>>, %arg5: memref<1xf32, #tpu.memory_space<hbm>>, %arg6: memref<32x8x16xf32, #tpu.memory_space<hbm>>, %arg7: memref<128x2x100xi32, #tpu.memory_space<vmem>>, %arg8: memref<100x32xf32, #tpu.memory_space<vmem>>, %arg9: memref<100x32xf32, #tpu.memory_space<vmem>>, %arg10: memref<8x16xf32, #tpu.memory_space<vmem>>, %arg11: memref<1x32xf32, #tpu.memory_space<vmem>>, %arg12: memref<16xf32, #tpu.memory_space<vmem>>, %arg13: memref<!tpu.dma_semaphore, #tpu.memory_space<semaphore_mem>>) attributes {dimension_semantics = [#tpu.dimension_semantics<core_parallel>, #tpu.dimension_semantics<subcore_parallel>], iteration_bounds = array<i64: 2, 16>, scalar_prefetch = 0 : i64, scratch_operands = 7 : i64, tpu.core_type = #tpu.core_type<sc_vector_subcore>, window_params = [{transform_indices = #map}, {transform_indices = #map1}, {transform_indices = #map1}, {transform_indices = #map2}, {transform_indices = #map3}]} {
    %mul3A = arith.constant 2 : i32
    %mul3A_0 = arith.muli %arg1, %mul3A : i32
    %add3A = arith.addi %mul3A_0, %arg0 : i32
    "tpu.region"() ({
      %run_scoped3A = tpu.sem_alloc : memref<!tpu.dma_semaphore, #tpu.memory_space<semaphore_mem>>
      %dma_start3A = arith.constant 0 : i32
      %dma_start3A_20 = arith.constant 0 : i32
      %dma_start3A_21 = arith.constant 0 : i32
      %dma_start3A_22 = tpu.memref_slice %arg2[%add3A, %dma_start3A, %dma_start3A_20, %dma_start3A_21] : memref<32x128x2x100xi32, #tpu.memory_space<hbm>> -> memref<1x128x2x100xi32, #tpu.memory_space<hbm>>
      %dma_start3A_23 = tpu.memref_squeeze %dma_start3A_22 : memref<1x128x2x100xi32, #tpu.memory_space<hbm>> -> memref<128x2x100xi32, #tpu.memory_space<hbm>>
      %dma_start3A_24 = arith.constant 0 : i32
      %dma_start3A_25 = arith.constant 0 : i32
      %dma_start3A_26 = arith.constant 0 : i32
      %dma_start3A_27 = tpu.memref_slice %arg2[%add3A, %dma_start3A_24, %dma_start3A_25, %dma_start3A_26] : memref<32x128x2x100xi32, #tpu.memory_space<hbm>> -> memref<1x128x2x100xi32, #tpu.memory_space<hbm>>
      %dma_start3A_28 = tpu.memref_squeeze %dma_start3A_27 : memref<1x128x2x100xi32, #tpu.memory_space<hbm>> -> memref<128x2x100xi32, #tpu.memory_space<hbm>>
      tpu.enqueue_dma source(%dma_start3A_28 : memref<128x2x100xi32, #tpu.memory_space<hbm>>) target(%arg7 : memref<128x2x100xi32, #tpu.memory_space<vmem>>) target_semaphore(%run_scoped3A : memref<!tpu.dma_semaphore, #tpu.memory_space<semaphore_mem>>)
      %dma_wait3A = arith.constant 0 : i32
      %dma_wait3A_29 = arith.constant 0 : i32
      %dma_wait3A_30 = arith.constant 0 : i32
      %dma_wait3A_31 = tpu.memref_slice %arg2[%add3A, %dma_wait3A, %dma_wait3A_29, %dma_wait3A_30] : memref<32x128x2x100xi32, #tpu.memory_space<hbm>> -> memref<1x128x2x100xi32, #tpu.memory_space<hbm>>
      %dma_wait3A_32 = tpu.memref_squeeze %dma_wait3A_31 : memref<1x128x2x100xi32, #tpu.memory_space<hbm>> -> memref<128x2x100xi32, #tpu.memory_space<hbm>>
      %dma_wait3A_33 = arith.constant 0 : i32
      %dma_wait3A_34 = arith.constant 0 : i32
      %dma_wait3A_35 = arith.constant 0 : i32
      %dma_wait3A_36 = tpu.memref_slice %arg2[%add3A, %dma_wait3A_33, %dma_wait3A_34, %dma_wait3A_35] : memref<32x128x2x100xi32, #tpu.memory_space<hbm>> -> memref<1x128x2x100xi32, #tpu.memory_space<hbm>>
      %dma_wait3A_37 = tpu.memref_squeeze %dma_wait3A_36 : memref<1x128x2x100xi32, #tpu.memory_space<hbm>> -> memref<128x2x100xi32, #tpu.memory_space<hbm>>
      tpu.wait_dma2 semaphore(%run_scoped3A : memref<!tpu.dma_semaphore, #tpu.memory_space<semaphore_mem>>) src(%dma_wait3A_37 : memref<128x2x100xi32, #tpu.memory_space<hbm>>) dst(%arg7 : memref<128x2x100xi32, #tpu.memory_space<vmem>>)
      tpu.yield
    }) : () -> ()
    "tpu.region"() ({
      %run_scoped3A = tpu.sem_alloc : memref<!tpu.dma_semaphore, #tpu.memory_space<semaphore_mem>>
      tpu.enqueue_dma source(%arg4 : memref<1x32xf32, #tpu.memory_space<hbm>>) target(%arg11 : memref<1x32xf32, #tpu.memory_space<vmem>>) target_semaphore(%run_scoped3A : memref<!tpu.dma_semaphore, #tpu.memory_space<semaphore_mem>>)
      tpu.wait_dma2 semaphore(%run_scoped3A : memref<!tpu.dma_semaphore, #tpu.memory_space<semaphore_mem>>) src(%arg4 : memref<1x32xf32, #tpu.memory_space<hbm>>) dst(%arg11 : memref<1x32xf32, #tpu.memory_space<vmem>>)
      tpu.yield
    }) : () -> ()
    "tpu.region"() ({
      %run_scoped3A = tpu.sem_alloc : memref<!tpu.dma_semaphore, #tpu.memory_space<semaphore_mem>>
      %dma_start3A = arith.constant 0 : i32
      %dma_start3A_20 = tpu.memref_slice %arg12[%dma_start3A] : memref<16xf32, #tpu.memory_space<vmem>> -> memref<1xf32, #tpu.memory_space<vmem>>
      %dma_start3A_21 = arith.constant 0 : i32
      %dma_start3A_22 = tpu.memref_slice %arg12[%dma_start3A_21] : memref<16xf32, #tpu.memory_space<vmem>> -> memref<1xf32, #tpu.memory_space<vmem>>
      tpu.enqueue_dma source(%arg5 : memref<1xf32, #tpu.memory_space<hbm>>) target(%dma_start3A_22 : memref<1xf32, #tpu.memory_space<vmem>>) target_semaphore(%run_scoped3A : memref<!tpu.dma_semaphore, #tpu.memory_space<semaphore_mem>>)
      %dma_wait3A = arith.constant 0 : i32
      %dma_wait3A_23 = tpu.memref_slice %arg12[%dma_wait3A] : memref<16xf32, #tpu.memory_space<vmem>> -> memref<1xf32, #tpu.memory_space<vmem>>
      %dma_wait3A_24 = arith.constant 0 : i32
      %dma_wait3A_25 = tpu.memref_slice %arg12[%dma_wait3A_24] : memref<16xf32, #tpu.memory_space<vmem>> -> memref<1xf32, #tpu.memory_space<vmem>>
      tpu.wait_dma2 semaphore(%run_scoped3A : memref<!tpu.dma_semaphore, #tpu.memory_space<semaphore_mem>>) src(%arg5 : memref<1xf32, #tpu.memory_space<hbm>>) dst(%dma_wait3A_25 : memref<1xf32, #tpu.memory_space<vmem>>)
      tpu.yield
    }) : () -> ()
    %get3A = arith.constant 0 : i32
    %get3A_1 = arith.index_cast %get3A : i32 to index
    %get3A_2 = arith.constant 0 : index
    %get3A_3 = tpu.vector_load %arg11[%get3A_1, %get3A_2] {strides = array<i32>} : memref<1x32xf32, #tpu.memory_space<vmem>>, vector<16xf32>,
    %get3A_4 = arith.constant 0 : i32
    %get3A_5 = arith.index_cast %get3A_4 : i32 to index
    %get3A_6 = arith.constant 16 : index
    %get3A_7 = tpu.vector_load %arg11[%get3A_5, %get3A_6] {strides = array<i32>} : memref<1x32xf32, #tpu.memory_space<vmem>>, vector<16xf32>,
    %get3A_8 = arith.constant 0 : index
    %get3A_9 = tpu.vector_load %arg12[%get3A_8] {strides = array<i32>} : memref<16xf32, #tpu.memory_space<vmem>>, vector<16xf32>,
    %slice3A = vector.extract_strided_slice %get3A_9 {offsets = [0], sizes = [1], strides = [1]} : vector<16xf32> to vector<1xf32>
    %squeeze3A = vector.extract %slice3A[0] : f32 from vector<1xf32>
    %broadcast_in_dim3A = vector.broadcast %squeeze3A : f32 to vector<16xf32>
    %mul3A_10 = arith.constant 6.250000e-02 : f32
    %mul3A_11 = vector.broadcast %mul3A_10 : f32 to vector<16xf32>
    %mul3A_12 = arith.mulf %broadcast_in_dim3A, %mul3A_11 : vector<16xf32>
    %iota3A = tpu.iota {dimensions = array<i32: 0>} : vector<16xi32>
    %broadcast_in_dim3A_13 = arith.constant 0.000000e+00 : f32
    %broadcast_in_dim3A_14 = vector.broadcast %broadcast_in_dim3A_13 : f32 to vector<16xf32>
    %scan3A = arith.constant 0 : i32
    %scan3A_15 = arith.constant 128 : i32
    %scan3A_16 = arith.addi %scan3A, %scan3A_15 : i32
    %scan3A_17 = arith.constant 1 : i32
    %scan3A_18 = scf.for %scan3A_20 = %scan3A to %scan3A_16 step %scan3A_17 iter_args(%scan3A_21 = %broadcast_in_dim3A_14) -> (vector<16xf32>)  : i32 {
      %dma_start3A = arith.constant 0 : i32
      %dma_start3A_22 = arith.constant 0 : i32
      %dma_start3A_23 = tpu.memref_slice %arg7[%scan3A_20, %dma_start3A, %dma_start3A_22] : memref<128x2x100xi32, #tpu.memory_space<vmem>> -> memref<1x1x100xi32, #tpu.memory_space<vmem>>
      %dma_start3A_24 = tpu.memref_squeeze %dma_start3A_23 : memref<1x1x100xi32, #tpu.memory_space<vmem>> -> memref<100xi32, #tpu.memory_space<vmem>>
      %dma_start3A_25 = arith.constant 0 : i32
      %dma_start3A_26 = arith.constant 0 : i32
      %dma_start3A_27 = tpu.memref_slice %arg3[%dma_start3A_25, %dma_start3A_26] : memref<1000000x32xf32, #tpu.memory_space<hbm>> -> memref<1000000x32xf32, #tpu.memory_space<hbm>>
      tpu.enqueue_indirect_dma source(%dma_start3A_27 : memref<1000000x32xf32, #tpu.memory_space<hbm>>) target(%arg8 : memref<100x32xf32, #tpu.memory_space<vmem>>) offsets(%dma_start3A_24 : memref<100xi32, #tpu.memory_space<vmem>>) semaphore(%arg13 : memref<!tpu.dma_semaphore, #tpu.memory_space<semaphore_mem>>)
      %dma_start3A_28 = arith.constant 1 : i32
      %dma_start3A_29 = arith.constant 0 : i32
      %dma_start3A_30 = tpu.memref_slice %arg7[%scan3A_20, %dma_start3A_28, %dma_start3A_29] : memref<128x2x100xi32, #tpu.memory_space<vmem>> -> memref<1x1x100xi32, #tpu.memory_space<vmem>>
      %dma_start3A_31 = tpu.memref_squeeze %dma_start3A_30 : memref<1x1x100xi32, #tpu.memory_space<vmem>> -> memref<100xi32, #tpu.memory_space<vmem>>
      %dma_start3A_32 = arith.constant 0 : i32
      %dma_start3A_33 = arith.constant 0 : i32
      %dma_start3A_34 = tpu.memref_slice %arg3[%dma_start3A_32, %dma_start3A_33] : memref<1000000x32xf32, #tpu.memory_space<hbm>> -> memref<1000000x32xf32, #tpu.memory_space<hbm>>
      tpu.enqueue_indirect_dma source(%dma_start3A_34 : memref<1000000x32xf32, #tpu.memory_space<hbm>>) target(%arg9 : memref<100x32xf32, #tpu.memory_space<vmem>>) offsets(%dma_start3A_31 : memref<100xi32, #tpu.memory_space<vmem>>) semaphore(%arg13 : memref<!tpu.dma_semaphore, #tpu.memory_space<semaphore_mem>>)
      %dma_wait3A = arith.constant 0 : i32
      %dma_wait3A_35 = arith.constant 0 : i32
      %dma_wait3A_36 = tpu.memref_slice %arg7[%scan3A_20, %dma_wait3A, %dma_wait3A_35] : memref<128x2x100xi32, #tpu.memory_space<vmem>> -> memref<1x1x100xi32, #tpu.memory_space<vmem>>
      %dma_wait3A_37 = tpu.memref_squeeze %dma_wait3A_36 : memref<1x1x100xi32, #tpu.memory_space<vmem>> -> memref<100xi32, #tpu.memory_space<vmem>>
      %dma_wait3A_38 = arith.constant 0 : i32
      %dma_wait3A_39 = arith.constant 0 : i32
      %dma_wait3A_40 = tpu.memref_slice %arg3[%dma_wait3A_38, %dma_wait3A_39] : memref<1000000x32xf32, #tpu.memory_space<hbm>> -> memref<1000000x32xf32, #tpu.memory_space<hbm>>
      tpu.wait_indirect_dma semaphore(%arg13 : memref<!tpu.dma_semaphore, #tpu.memory_space<semaphore_mem>>) src(%dma_wait3A_40 : memref<1000000x32xf32, #tpu.memory_space<hbm>>) dst(%arg8 : memref<100x32xf32, #tpu.memory_space<vmem>>)
      %dma_wait3A_41 = arith.constant 1 : i32
      %dma_wait3A_42 = arith.constant 0 : i32
      %dma_wait3A_43 = tpu.memref_slice %arg7[%scan3A_20, %dma_wait3A_41, %dma_wait3A_42] : memref<128x2x100xi32, #tpu.memory_space<vmem>> -> memref<1x1x100xi32, #tpu.memory_space<vmem>>
      %dma_wait3A_44 = tpu.memref_squeeze %dma_wait3A_43 : memref<1x1x100xi32, #tpu.memory_space<vmem>> -> memref<100xi32, #tpu.memory_space<vmem>>
      %dma_wait3A_45 = arith.constant 0 : i32
      %dma_wait3A_46 = arith.constant 0 : i32
      %dma_wait3A_47 = tpu.memref_slice %arg3[%dma_wait3A_45, %dma_wait3A_46] : memref<1000000x32xf32, #tpu.memory_space<hbm>> -> memref<1000000x32xf32, #tpu.memory_space<hbm>>
      tpu.wait_indirect_dma semaphore(%arg13 : memref<!tpu.dma_semaphore, #tpu.memory_space<semaphore_mem>>) src(%dma_wait3A_47 : memref<1000000x32xf32, #tpu.memory_space<hbm>>) dst(%arg9 : memref<100x32xf32, #tpu.memory_space<vmem>>)
      %broadcast_in_dim3A_48 = arith.constant 0.000000e+00 : f32
      %broadcast_in_dim3A_49 = vector.broadcast %broadcast_in_dim3A_48 : f32 to vector<16xf32>
      %scan3A_50 = arith.constant 0 : i32
      %scan3A_51 = arith.constant 25 : i32
      %scan3A_52 = arith.addi %scan3A_50, %scan3A_51 : i32
      %scan3A_53 = arith.constant 1 : i32
      %scan3A_54:8 = scf.for %scan3A_104 = %scan3A_50 to %scan3A_52 step %scan3A_53 iter_args(%scan3A_105 = %broadcast_in_dim3A_49, %scan3A_106 = %broadcast_in_dim3A_49, %scan3A_107 = %broadcast_in_dim3A_49, %scan3A_108 = %broadcast_in_dim3A_49, %scan3A_109 = %broadcast_in_dim3A_49, %scan3A_110 = %broadcast_in_dim3A_49, %scan3A_111 = %broadcast_in_dim3A_49, %scan3A_112 = %broadcast_in_dim3A_49) -> (vector<16xf32>, vector<16xf32>, vector<16xf32>, vector<16xf32>, vector<16xf32>, vector<16xf32>, vector<16xf32>, vector<16xf32>)  : i32 {
        %mul3A_113 = arith.constant 4 : i32
        %mul3A_114 = arith.muli %scan3A_104, %mul3A_113 : i32
        %add3A_115 = arith.constant 0 : i32
        %add3A_116 = arith.addi %mul3A_114, %add3A_115 : i32
        %get3A_117 = arith.index_cast %add3A_116 : i32 to index
        %get3A_118 = arith.constant 0 : index
        %get3A_119 = tpu.vector_load %arg8[%get3A_117, %get3A_118] {strides = array<i32>} : memref<100x32xf32, #tpu.memory_space<vmem>>, vector<16xf32>,
        %add3A_120 = arith.addf %scan3A_105, %get3A_119 : vector<16xf32>
        %get3A_121 = arith.index_cast %add3A_116 : i32 to index
        %get3A_122 = arith.constant 16 : index
        %get3A_123 = tpu.vector_load %arg8[%get3A_121, %get3A_122] {strides = array<i32>} : memref<100x32xf32, #tpu.memory_space<vmem>>, vector<16xf32>,
        %add3A_124 = arith.addf %scan3A_109, %get3A_123 : vector<16xf32>
        %get3A_125 = arith.index_cast %add3A_116 : i32 to index
        %get3A_126 = arith.constant 0 : index
        %get3A_127 = tpu.vector_load %arg9[%get3A_125, %get3A_126] {strides = array<i32>} : memref<100x32xf32, #tpu.memory_space<vmem>>, vector<16xf32>,
        %add3A_128 = arith.addf %add3A_120, %get3A_127 : vector<16xf32>
        %get3A_129 = arith.index_cast %add3A_116 : i32 to index
        %get3A_130 = arith.constant 16 : index
        %get3A_131 = tpu.vector_load %arg9[%get3A_129, %get3A_130] {strides = array<i32>} : memref<100x32xf32, #tpu.memory_space<vmem>>, vector<16xf32>,
        %add3A_132 = arith.addf %add3A_124, %get3A_131 : vector<16xf32>
        %mul3A_133 = arith.constant 4 : i32
        %mul3A_134 = arith.muli %scan3A_104, %mul3A_133 : i32
        %add3A_135 = arith.constant 1 : i32
        %add3A_136 = arith.addi %mul3A_134, %add3A_135 : i32
        %get3A_137 = arith.index_cast %add3A_136 : i32 to index
        %get3A_138 = arith.constant 0 : index
        %get3A_139 = tpu.vector_load %arg8[%get3A_137, %get3A_138] {strides = array<i32>} : memref<100x32xf32, #tpu.memory_space<vmem>>, vector<16xf32>,
        %add3A_140 = arith.addf %scan3A_106, %get3A_139 : vector<16xf32>
        %get3A_141 = arith.index_cast %add3A_136 : i32 to index
        %get3A_142 = arith.constant 16 : index
        %get3A_143 = tpu.vector_load %arg8[%get3A_141, %get3A_142] {strides = array<i32>} : memref<100x32xf32, #tpu.memory_space<vmem>>, vector<16xf32>,
        %add3A_144 = arith.addf %scan3A_110, %get3A_143 : vector<16xf32>
        %get3A_145 = arith.index_cast %add3A_136 : i32 to index
        %get3A_146 = arith.constant 0 : index
        %get3A_147 = tpu.vector_load %arg9[%get3A_145, %get3A_146] {strides = array<i32>} : memref<100x32xf32, #tpu.memory_space<vmem>>, vector<16xf32>,
        %add3A_148 = arith.addf %add3A_140, %get3A_147 : vector<16xf32>
        %get3A_149 = arith.index_cast %add3A_136 : i32 to index
        %get3A_150 = arith.constant 16 : index
        %get3A_151 = tpu.vector_load %arg9[%get3A_149, %get3A_150] {strides = array<i32>} : memref<100x32xf32, #tpu.memory_space<vmem>>, vector<16xf32>,
        %add3A_152 = arith.addf %add3A_144, %get3A_151 : vector<16xf32>
        %mul3A_153 = arith.constant 4 : i32
        %mul3A_154 = arith.muli %scan3A_104, %mul3A_153 : i32
        %add3A_155 = arith.constant 2 : i32
        %add3A_156 = arith.addi %mul3A_154, %add3A_155 : i32
        %get3A_157 = arith.index_cast %add3A_156 : i32 to index
        %get3A_158 = arith.constant 0 : index
        %get3A_159 = tpu.vector_load %arg8[%get3A_157, %get3A_158] {strides = array<i32>} : memref<100x32xf32, #tpu.memory_space<vmem>>, vector<16xf32>,
        %add3A_160 = arith.addf %scan3A_107, %get3A_159 : vector<16xf32>
        %get3A_161 = arith.index_cast %add3A_156 : i32 to index
        %get3A_162 = arith.constant 16 : index
        %get3A_163 = tpu.vector_load %arg8[%get3A_161, %get3A_162] {strides = array<i32>} : memref<100x32xf32, #tpu.memory_space<vmem>>, vector<16xf32>,
        %add3A_164 = arith.addf %scan3A_111, %get3A_163 : vector<16xf32>
        %get3A_165 = arith.index_cast %add3A_156 : i32 to index
        %get3A_166 = arith.constant 0 : index
        %get3A_167 = tpu.vector_load %arg9[%get3A_165, %get3A_166] {strides = array<i32>} : memref<100x32xf32, #tpu.memory_space<vmem>>, vector<16xf32>,
        %add3A_168 = arith.addf %add3A_160, %get3A_167 : vector<16xf32>
        %get3A_169 = arith.index_cast %add3A_156 : i32 to index
        %get3A_170 = arith.constant 16 : index
        %get3A_171 = tpu.vector_load %arg9[%get3A_169, %get3A_170] {strides = array<i32>} : memref<100x32xf32, #tpu.memory_space<vmem>>, vector<16xf32>,
        %add3A_172 = arith.addf %add3A_164, %get3A_171 : vector<16xf32>
        %mul3A_173 = arith.constant 4 : i32
        %mul3A_174 = arith.muli %scan3A_104, %mul3A_173 : i32
        %add3A_175 = arith.constant 3 : i32
        %add3A_176 = arith.addi %mul3A_174, %add3A_175 : i32
        %get3A_177 = arith.index_cast %add3A_176 : i32 to index
        %get3A_178 = arith.constant 0 : index
        %get3A_179 = tpu.vector_load %arg8[%get3A_177, %get3A_178] {strides = array<i32>} : memref<100x32xf32, #tpu.memory_space<vmem>>, vector<16xf32>,
        %add3A_180 = arith.addf %scan3A_108, %get3A_179 : vector<16xf32>
        %get3A_181 = arith.index_cast %add3A_176 : i32 to index
        %get3A_182 = arith.constant 16 : index
        %get3A_183 = tpu.vector_load %arg8[%get3A_181, %get3A_182] {strides = array<i32>} : memref<100x32xf32, #tpu.memory_space<vmem>>, vector<16xf32>,
        %add3A_184 = arith.addf %scan3A_112, %get3A_183 : vector<16xf32>
        %get3A_185 = arith.index_cast %add3A_176 : i32 to index
        %get3A_186 = arith.constant 0 : index
        %get3A_187 = tpu.vector_load %arg9[%get3A_185, %get3A_186] {strides = array<i32>} : memref<100x32xf32, #tpu.memory_space<vmem>>, vector<16xf32>,
        %add3A_188 = arith.addf %add3A_180, %get3A_187 : vector<16xf32>
        %get3A_189 = arith.index_cast %add3A_176 : i32 to index
        %get3A_190 = arith.constant 16 : index
        %get3A_191 = tpu.vector_load %arg9[%get3A_189, %get3A_190] {strides = array<i32>} : memref<100x32xf32, #tpu.memory_space<vmem>>, vector<16xf32>,
        %add3A_192 = arith.addf %add3A_184, %get3A_191 : vector<16xf32>
        scf.yield %add3A_128, %add3A_148, %add3A_168, %add3A_188, %add3A_132, %add3A_152, %add3A_172, %add3A_192 : vector<16xf32>, vector<16xf32>, vector<16xf32>, vector<16xf32>, vector<16xf32>, vector<16xf32>, vector<16xf32>, vector<16xf32>
      }
      %scan3A_55 = arith.constant 25 : i32
      %add3A_56 = arith.addf %scan3A_54#0, %scan3A_54#1 : vector<16xf32>
      %add3A_57 = arith.addf %scan3A_54#2, %scan3A_54#3 : vector<16xf32>
      %add3A_58 = arith.addf %add3A_56, %add3A_57 : vector<16xf32>
      %add3A_59 = arith.addf %scan3A_54#4, %scan3A_54#5 : vector<16xf32>
      %add3A_60 = arith.addf %scan3A_54#6, %scan3A_54#7 : vector<16xf32>
      %add3A_61 = arith.addf %add3A_59, %add3A_60 : vector<16xf32>
      %mul3A_62 = arith.mulf %add3A_58, %get3A_3 : vector<16xf32>
      %mul3A_63 = arith.mulf %add3A_61, %get3A_7 : vector<16xf32>
      %add3A_64 = arith.addf %mul3A_62, %mul3A_63 : vector<16xf32>
      %mul3A_65 = arith.constant 5.000000e-03 : f32
      %mul3A_66 = vector.broadcast %mul3A_65 : f32 to vector<16xf32>
      %mul3A_67 = arith.mulf %add3A_64, %mul3A_66 : vector<16xf32>
      %add3A_68 = arith.addf %mul3A_67, %mul3A_12 : vector<16xf32>
      %reduce_sum3A = arith.constant true
      %reduce_sum3A_69 = vector.broadcast %reduce_sum3A : i1 to vector<16xi1>
      %reduce_sum3A_70 = tpu.scan <sum>, %add3A_68 masked %reduce_sum3A_69 : vector<16xf32>, vector<16xi1> -> vector<16xf32>
      %reduce_sum3A_71 = vector.extract %reduce_sum3A_70[15] : f32 from vector<16xf32>
      %jit3A = arith.constant 16 : i32
      %eq3A = arith.constant 0 : i32
      %eq3A_72 = arith.cmpi eq, %jit3A, %eq3A : i32
      %jit3A_73 = arith.constant 1 : i32
      %select_n3A = arith.select %eq3A_72, %jit3A_73, %jit3A : i32
      %rem3A = arith.remsi %scan3A_20, %select_n3A : i32
      %ne3A = arith.constant 0 : i32
      %ne3A_74 = arith.cmpi ne, %rem3A, %ne3A : i32
      %lt3A = arith.constant 0 : i32
      %lt3A_75 = arith.cmpi slt, %rem3A, %lt3A : i32
      %lt3A_76 = arith.constant 0 : i32
      %lt3A_77 = arith.cmpi slt, %select_n3A, %lt3A_76 : i32
      %ne3A_78 = arith.xori %lt3A_75, %lt3A_77 : i1
      %and3A = arith.andi %ne3A_78, %ne3A_74 : i1
      %add3A_79 = arith.addi %rem3A, %select_n3A : i32
      %select_n3A_80 = arith.select %and3A, %add3A_79, %rem3A : i32
      %eq3A_81 = vector.broadcast %select_n3A_80 : i32 to vector<16xi32>
      %eq3A_82 = arith.cmpi eq, %iota3A, %eq3A_81 : vector<16xi32>
      %broadcast_in_dim3A_83 = vector.broadcast %reduce_sum3A_71 : f32 to vector<16xf32>
      %select_n3A_84 = arith.select %eq3A_82, %broadcast_in_dim3A_83, %scan3A_21 : vector<16xi1>, vector<16xf32>
      %jit3A_85 = arith.constant 16 : i32
      %eq3A_86 = arith.constant 0 : i32
      %eq3A_87 = arith.cmpi eq, %jit3A_85, %eq3A_86 : i32
      %jit3A_88 = arith.constant 1 : i32
      %select_n3A_89 = arith.select %eq3A_87, %jit3A_88, %jit3A_85 : i32
      %rem3A_90 = arith.remsi %scan3A_20, %select_n3A_89 : i32
      %ne3A_91 = arith.constant 0 : i32
      %ne3A_92 = arith.cmpi ne, %rem3A_90, %ne3A_91 : i32
      %lt3A_93 = arith.constant 0 : i32
      %lt3A_94 = arith.cmpi slt, %rem3A_90, %lt3A_93 : i32
      %lt3A_95 = arith.constant 0 : i32
      %lt3A_96 = arith.cmpi slt, %select_n3A_89, %lt3A_95 : i32
      %ne3A_97 = arith.xori %lt3A_94, %lt3A_96 : i1
      %and3A_98 = arith.andi %ne3A_97, %ne3A_92 : i1
      %add3A_99 = arith.addi %rem3A_90, %select_n3A_89 : i32
      %select_n3A_100 = arith.select %and3A_98, %add3A_99, %rem3A_90 : i32
      %eq3A_101 = arith.constant 15 : i32
      %eq3A_102 = arith.cmpi eq, %select_n3A_100, %eq3A_101 : i32
      %convert_element_type3A = arith.extui %eq3A_102 : i1 to i32
      %cond3A = arith.constant 0 : i32
      %cond3A_103 = arith.cmpi ne, %convert_element_type3A, %cond3A : i32
      scf.if %cond3A_103 {
        %jit3A_104 = arith.constant 16 : i32
        %div3A = arith.divsi %scan3A_20, %jit3A_104 : i32
        %sign3A = arith.constant 0 : i32
        %sign3A_105 = arith.cmpi sgt, %scan3A_20, %sign3A : i32
        %sign3A_106 = arith.extui %sign3A_105 : i1 to i32
        %sign3A_107 = arith.constant 0 : i32
        %sign3A_108 = arith.cmpi slt, %scan3A_20, %sign3A_107 : i32
        %sign3A_109 = arith.extui %sign3A_108 : i1 to i32
        %sign3A_110 = arith.subi %sign3A_106, %sign3A_109 : i32
        %sign3A_111 = arith.constant 0 : i32
        %sign3A_112 = arith.cmpi sgt, %jit3A_104, %sign3A_111 : i32
        %sign3A_113 = arith.extui %sign3A_112 : i1 to i32
        %sign3A_114 = arith.constant 0 : i32
        %sign3A_115 = arith.cmpi slt, %jit3A_104, %sign3A_114 : i32
        %sign3A_116 = arith.extui %sign3A_115 : i1 to i32
        %sign3A_117 = arith.subi %sign3A_113, %sign3A_116 : i32
        %ne3A_118 = arith.cmpi ne, %sign3A_110, %sign3A_117 : i32
        %rem3A_119 = arith.remsi %scan3A_20, %jit3A_104 : i32
        %ne3A_120 = arith.constant 0 : i32
        %ne3A_121 = arith.cmpi ne, %rem3A_119, %ne3A_120 : i32
        %and3A_122 = arith.andi %ne3A_118, %ne3A_121 : i1
        %sub3A = arith.constant 1 : i32
        %sub3A_123 = arith.subi %div3A, %sub3A : i32
        %select_n3A_124 = arith.select %and3A_122, %sub3A_123, %div3A : i32
        %swap3A = arith.index_cast %select_n3A_124 : i32 to index
        %swap3A_125 = arith.constant 0 : index
        %swap3A_126 = tpu.vector_load %arg10[%swap3A, %swap3A_125] {strides = array<i32>} : memref<8x16xf32, #tpu.memory_space<vmem>>, vector<16xf32>,
        tpu.vector_store %arg10[%swap3A, %swap3A_125], %select_n3A_84 {strides = array<i32>} : memref<8x16xf32, #tpu.memory_space<vmem>>, vector<16xf32>,
      } else {
      }
      scf.yield %select_n3A_84 : vector<16xf32>
    }
    %scan3A_19 = arith.constant 128 : i32
    "tpu.region"() ({
      %run_scoped3A = tpu.sem_alloc : memref<!tpu.dma_semaphore, #tpu.memory_space<semaphore_mem>>
      %dma_start3A = arith.constant 0 : i32
      %dma_start3A_20 = arith.constant 0 : i32
      %dma_start3A_21 = tpu.memref_slice %arg6[%add3A, %dma_start3A, %dma_start3A_20] : memref<32x8x16xf32, #tpu.memory_space<hbm>> -> memref<1x8x16xf32, #tpu.memory_space<hbm>>
      %dma_start3A_22 = tpu.memref_squeeze %dma_start3A_21 : memref<1x8x16xf32, #tpu.memory_space<hbm>> -> memref<8x16xf32, #tpu.memory_space<hbm>>
      %dma_start3A_23 = arith.constant 0 : i32
      %dma_start3A_24 = arith.constant 0 : i32
      %dma_start3A_25 = tpu.memref_slice %arg6[%add3A, %dma_start3A_23, %dma_start3A_24] : memref<32x8x16xf32, #tpu.memory_space<hbm>> -> memref<1x8x16xf32, #tpu.memory_space<hbm>>
      %dma_start3A_26 = tpu.memref_squeeze %dma_start3A_25 : memref<1x8x16xf32, #tpu.memory_space<hbm>> -> memref<8x16xf32, #tpu.memory_space<hbm>>
      tpu.enqueue_dma source(%arg10 : memref<8x16xf32, #tpu.memory_space<vmem>>) target(%dma_start3A_26 : memref<8x16xf32, #tpu.memory_space<hbm>>) target_semaphore(%run_scoped3A : memref<!tpu.dma_semaphore, #tpu.memory_space<semaphore_mem>>)
      %dma_wait3A = arith.constant 0 : i32
      %dma_wait3A_27 = arith.constant 0 : i32
      %dma_wait3A_28 = tpu.memref_slice %arg6[%add3A, %dma_wait3A, %dma_wait3A_27] : memref<32x8x16xf32, #tpu.memory_space<hbm>> -> memref<1x8x16xf32, #tpu.memory_space<hbm>>
      %dma_wait3A_29 = tpu.memref_squeeze %dma_wait3A_28 : memref<1x8x16xf32, #tpu.memory_space<hbm>> -> memref<8x16xf32, #tpu.memory_space<hbm>>
      %dma_wait3A_30 = arith.constant 0 : i32
      %dma_wait3A_31 = arith.constant 0 : i32
      %dma_wait3A_32 = tpu.memref_slice %arg6[%add3A, %dma_wait3A_30, %dma_wait3A_31] : memref<32x8x16xf32, #tpu.memory_space<hbm>> -> memref<1x8x16xf32, #tpu.memory_space<hbm>>
      %dma_wait3A_33 = tpu.memref_squeeze %dma_wait3A_32 : memref<1x8x16xf32, #tpu.memory_space<hbm>> -> memref<8x16xf32, #tpu.memory_space<hbm>>
      tpu.wait_dma2 semaphore(%run_scoped3A : memref<!tpu.dma_semaphore, #tpu.memory_space<semaphore_mem>>) src(%arg10 : memref<8x16xf32, #tpu.memory_space<vmem>>) dst(%dma_wait3A_33 : memref<8x16xf32, #tpu.memory_space<hbm>>)
      tpu.yield
    }) : () -> ()
    return
  }
}

</mosaic_0001>

<sc_bundles>
// kernel: kernel.3.cloned.1.call-start
scs
__scs_entry_jumppad:
0x0: {  	(pc) =	sbr.rel $0x88, $3  }
0x1: {  	(tag) =	ssettag $0x0;
	lr =	simm.s32 $0x1  }
0x2: {  	[smem:$0x3F9D] =	sst lr;
	_ =	strace $0xD0000000  }
0x3: {  	_ = 	snop  }
0x4: {  	_ = 	snop  }
0x5: {  	_ = 	snop  }
0x6: {  	_ = 	snop  }
0x7: {  	_ = 	snop  }
__scs_overlays_trampoline_lowered:
0x8: {  	[smem:$0x3FAC] =	sst s0  }
0x9: {  	[smem:$0x3FAD] =	sst s1  }
0xa: {  	[smem:$0x3FAE] =	sst s2  }
0xb: {  	[smem:$0x3FAF] =	sst s3  }
0xc: {  	[smem:$0x3FB0] =	sst s4  }
0xd: {  	[smem:$0x3FB1] =	sst s5  }
0xe: {  	[smem:$0x3FB2] =	sst s6  }
0xf: {  	[smem:$0x3FB3] =	sst s7  }
0x10: {  	[smem:$0x3FB4] =	sst s8  }
0x11: {  	[smem:$0x3FB5] =	sst s9;
	s0 =	simm.s32 @!p0 $0x0  }
0x12: {  	s1 =	sld [smem:$0x3F9B];
	s0 =	simm.s32 @p0 $0x1  }
0x13: {  	[smem:$0x3FB6] =	sst s0;
	s0 =	simm.s32 @!p1 $0x0  }
0x14: {  	s2 =	sld [smem:$0x3F9A];
	s0 =	simm.s32 @p1 $0x1  }
0x15: {  	[smem:$0x3FB7] =	sst s0;
	s0 =	simm.s32 @!p2 $0x0  }
0x16: {  	s3 =	sld [smem:$0x3FDB];
	s0 =	simm.s32 @p2 $0x1  }
0x17: {  	s4 =	simm.s32 $0x1BF5;
	[smem:$0x3FB9] =	sst s0  }
0x18: {  	s0 =	sld [smem:$0x3F9C];
	_ =	swait.ge [sflag:s4], $0x0  }
0x19: {  	s7 =	sld [smem:$0x3F9D]  }
0x1a: {  	s8 =	sadd.s32 $0xFFFFE003, lr  }
0x1b: {  	s9 =	sadd.s32 $0xFFFFFEF7, lr;
	s5 =	simm.s32 $0xFFFFFFFF;
	p2 =	slt.u32 s8, $0xFFFFF086  }
0x1c: {  	p1 =	slt.u32 s9, $0xF7A;
	s5 =	simm.s32 @!p2 $0x0  }
0x1d: {  	s5 =	simm.s32 @p1 $0x1;
	p0 =	seq.s32 s7, s2  }
0x1e: {  	s7 =	smul.u32 @!p0 $0xF7A, s2;
	p2 =	seq.s32 @!p0 s5, $0x0  }
0x1f: {  	s9 =	smul.u32 $0xF7A, s1;
	s8 =	simm.s32 @!p0 $0x1BF5;
	p2 =	por !p2, p0  }
0x20: {  	[sflag:s8] =	ssyncset.s32 @!p0 $0xFFFFF086;
	s6 =	sadd.s32 @!p0 s3, s7;
	s7 =	simm.s32 @!p0 $0x108  }
0x21: {  	s3 =	sadd.s32 s3, s9;
	s6 =	sadd.s32 @!p0 $0x88, s6;
	s7 =	simm.s32 @p2 $0x1082  }
0x22: {  	[simem:s7], [sflag:s8] =	dma.local @!p0 [hbm:s6], $0xF7A  }
0x23: {  	s9 =	sor.u32 $0xD0000000, s2;
	s6 =	simm.s32 $0x108;
	_ =	swait.ge @!p0 [sflag:s8], $0x0  }
0x24: {  	s3 =	sadd.s32 $0x88, s3;
	s6 =	simm.s32 @!p1 $0x1082;
	[sflag:s4] =	ssyncset.s32 $0xFFFFF086  }
0x25: {  	[simem:s6], [sflag:s4] =	dma.local [hbm:s3], $0xF7A  }
0x26: {  	[smem:$0x3F9D] =	sst s1;
	(tag) =	ssettag s2;
	_ =	strace s9  }
0x27: {  	s1 =	sld [smem:$0x3FAD]  }
0x28: {  	s2 =	sld [smem:$0x3FAE]  }
0x29: {  	s4 =	sld [smem:$0x3FB0]  }
0x2a: {  	p0 =	seq.s32 s5, $0x0;
	s5 =	sld [smem:$0x3FB1]  }
0x2b: {  	s6 =	sld [smem:$0x3FB2]  }
0x2c: {  	s7 =	sld [smem:$0x3FB3]  }
0x2d: {  	s3 =	simm.s32 $0x108;
	s8 =	sld [smem:$0x3FB4]  }
0x2e: {  	s3 =	simm.s32 @!p0 $0x1082;
	s9 =	sld [smem:$0x3FB5]  }
0x2f: {  	lr =	sadd.s32 s0, s3;
	s0 =	sld [smem:$0x3FAC]  }
0x30: {  	s3 =	sld [smem:$0x3FAF]  }
0x31: {  	[smem:$0x3FB8] =	sst s10  }
0x32: {  	s10 =	sld [smem:$0x3FB6];
	_ =	sdelay $0x3  }
0x33: {  	p0 =	seq.s32 s10, $0x1;
	s10 =	sld [smem:$0x3FB8];
	_ =	sdelay $0x3  }
0x34: {  	[smem:$0x3FB8] =	sst s10  }
0x35: {  	s10 =	sld [smem:$0x3FB7];
	_ =	sdelay $0x3  }
0x36: {  	p1 =	seq.s32 s10, $0x1;
	s10 =	sld [smem:$0x3FB8];
	_ =	sdelay $0x3  }
0x37: {  	[smem:$0x3FB8] =	sst s10  }
0x38: {  	s10 =	sld [smem:$0x3FB9]  }
0x39: {  	_ = 	snop;
	(pc) =	sbr.ind lr, $3  }
0x3a: {  	_ = 	snop  }
0x3b: {  	_ = 	snop  }
0x3c: {  	p2 =	seq.s32 s10, $0x1;
	s10 =	sld [smem:$0x3FB8]  }
0x3d: {  	_ =	shalt  }
0x3e: {  	_ =	shalt  }
0x3f: {  	_ =	shalt  }
0x40: {  	_ =	shalt  }
0x41: {  	_ =	shalt  }
0x42: {  	_ =	shalt  }
0x43: {  	_ =	shalt  }
0x44: {  	_ =	shalt  }
0x45: {  	_ =	shalt  }
0x46: {  	_ =	shalt  }
0x47: {  	_ =	shalt  }
0x48: {  	_ =	shalt  }
0x49: {  	_ =	shalt  }
0x4a: {  	_ =	shalt  }
0x4b: {  	_ =	shalt  }
0x4c: {  	_ =	shalt  }
0x4d: {  	_ =	shalt  }
0x4e: {  	_ =	shalt  }
0x4f: {  	_ =	shalt  }
0x50: {  	_ =	shalt  }
0x51: {  	_ =	shalt  }
0x52: {  	_ =	shalt  }
0x53: {  	_ =	shalt  }
0x54: {  	_ =	shalt  }
0x55: {  	_ =	shalt  }
0x56: {  	_ =	shalt  }
0x57: {  	_ =	shalt  }
0x58: {  	_ =	shalt  }
0x59: {  	_ =	shalt  }
0x5a: {  	_ =	shalt  }
0x5b: {  	_ =	shalt  }
0x5c: {  	_ =	shalt  }
0x5d: {  	_ =	shalt  }
0x5e: {  	_ =	shalt  }
0x5f: {  	_ =	shalt  }
0x60: {  	_ =	shalt  }
0x61: {  	_ =	shalt  }
0x62: {  	_ =	shalt  }
0x63: {  	_ =	shalt  }
0x64: {  	_ =	shalt  }
0x65: {  	_ =	shalt  }
0x66: {  	_ =	shalt  }
0x67: {  	_ =	shalt  }
0x68: {  	_ =	shalt  }
0x69: {  	_ =	shalt  }
0x6a: {  	_ =	shalt  }
0x6b: {  	_ =	shalt  }
0x6c: {  	_ =	shalt  }
0x6d: {  	_ =	shalt  }
0x6e: {  	_ =	shalt  }
0x6f: {  	_ =	shalt  }
0x70: {  	_ =	shalt  }
0x71: {  	_ =	shalt  }
0x72: {  	_ =	shalt  }
0x73: {  	_ =	shalt  }
0x74: {  	_ =	shalt  }
0x75: {  	_ =	shalt  }
0x76: {  	_ =	shalt  }
0x77: {  	_ =	shalt  }
0x78: {  	_ =	shalt  }
0x79: {  	_ =	shalt  }
0x7a: {  	_ =	shalt  }
0x7b: {  	_ =	shalt  }
0x7c: {  	_ =	shalt  }
0x7d: {  	_ =	shalt  }
0x7e: {  	_ =	shalt  }
0x7f: {  	_ =	shalt  }
0x80: {  	_ =	shalt  }
0x81: {  	_ =	shalt  }
0x82: {  	_ =	shalt  }
0x83: {  	_ =	shalt  }
0x84: {  	_ =	shalt  }
0x85: {  	_ =	shalt  }
0x86: {  	_ =	shalt  }
0x87: {  	_ =	shalt  }
.Lfunc_end0:
.L_simem_size_0:
called_computation_lowered:
.L_overlay_start_0:
0x88: {  	s2 =	sld [smem:$0x3FD9]  }
0x89: {  	s3 =	sld [smem:$0x3FFE];
	_ =	sdelay $0x1  }
0x8a: {  	s1 =	srdreg.scid  }
0x8b: {  	s0 =	sand.u32 $0x1, s1  }
0x8c: {  	s17 =	sshll.u32 s0, $0xA;
	s2 =	sadd.s32 s3, s2  }
0x8d: {  	s2 =	sadd.s32 s2, s17  }
0x8e: {  	[smem:$0x3FC4] =	sst s2  }
0x8f: {  	_ = 	snop  }
0x90: {  	s2 =	sld [smem:$0x3FC7]  }
0x91: {  	s18 =	sld [smem:$0x3FC6]  }
0x92: {  	s4 =	sld [smem:$0x3FD0];
	(tm) =	ssettm $0x1  }
0x93: {  	s5 =	sld [smem:$0x3FFB];
	_ =	sdelay $0x3  }
0x94: {  	_ =	strace s5  }
0x95: {  	s5 =	sld [smem:$0x3FFC];
	_ =	sdelay $0x3  }
0x96: {  	_ =	strace s5  }
0x97: {  	s5 =	sld [smem:$0x3FFD];
	_ =	sdelay $0x3  }
0x98: {  	_ =	strace s5  }
0x99: {  	_ =	strace $0x8FFFFFFF  }
0x9a: {  	s19 =	sld [smem:$0x3FDB];
	_ =	sdelay $0x1  }
0x9b: {  	s6 =	simm.s32 $_scs_section_size  }
0x9c: {  	s7 =	simm.s32 $_size__tile_overlayer_lowered;
	s8 =	simm.s32 $_tile_overlayer_lowered  }
0x9d: {  	s22 =	simm.s32 $0x1BFF;
	s21 =	sshll.u32 s8, $0x1;
	s5 =	sadd.s32 s6, s19  }
0x9e: {  	s9 =	simm.s32 $0x0;
	s20 =	sshll.u32 s7, $0x1;
	s7 =	sadd.s32 s21, s5  }
0x9f: {  	[timem:s9], [sflag:s22] =	dma.local [hbm:s7], s20  }
0xa0: {  	_ =	swait.ge [sflag:s22], s20  }
0xa1: {  	s6 =	ssub.s32 $0x0, s20;
	[sflag:s22] =	ssyncset.done $0x0  }
0xa2: {  	[sflag:s22] =	ssyncadd.s32 s6;
	_ =	sdelay $0x1  }
0xa3: {  	s23 =	simm.s32 $0x1B8B  }
0xa4: {  	_ =	swait.ge [sflag:s23], $0x1  }
0xa5: {  	[sflag:s23] =	ssyncset.done $0x0  }
0xa6: {  	s25 =	simm.s32 $0x1B8E;
	s24 =	sld [smem:$0x3FFE];
	[sflag:s23] =	ssyncadd.s32 $0xFFFFFFFF  }
0xa7: {  	s26 =	simm.s32 $execute0_lowered;
	[smem:$0x3FD2] =	sst s25  }
0xa8: {  	s7 =	sshll.u32 s26, $0x1;
	_ =	strace $0x80000046;
	[dreg:$0x1] =	wrdreg $0xFFFFFFFF  }
0xa9: {  	s28 =	simm.s32 $_size_execute0_lowered;
	s5 =	sadd.s32 s5, s7;
	[dreg:$0x0] =	wrdreg $0x0  }
0xaa: {  	s7 =	sshll.u32 s28, $0x1;
	[dreg:$0x2] =	wrdreg s5  }
0xab: {  	[dreg:$0x3] =	wrdreg s7  }
0xac: {  	[dreg:$0x4] =	wrdreg $0xC0  }
0xad: {  	_ =	task [dreg:s9], $0x5FFFF  }
0xae: {  	[dreg:$0x1] =	wrdreg $0xFFFFFFFF  }
0xaf: {  	[dreg:$0x0] =	wrdreg $0x60  }
0xb0: {  	[dreg:$0x2] =	wrdreg s24  }
0xb1: {  	[dreg:$0x3] =	wrdreg s2  }
0xb2: {  	[dreg:$0x4] =	wrdreg s18  }
0xb3: {  	[dreg:$0x5] =	wrdreg s4  }
0xb4: {  	[dreg:$0x6] =	wrdreg $0x9  }
0xb5: {  	_ =	task.clear_ibuf [dreg:s9], $0x7FFFF;
	_ =	strace $0x90000046  }
0xb6: {  	s29 =	simm.s32 $0x9;
	_ =	strace $0x80000048  }
0xb7: {  	_ =	swait.ge [sflag:s29], $0x1  }
0xb8: {  	[sflag:s29] =	ssyncadd.s32 $0xFFFFFFFF  }
0xb9: {  	_ =	strace $0x90000048  }
0xba: {  	_ =	sfence  }
0xbb: {  	s30 =	sld [smem:$0x0];
	_ =	sdelay $0x2  }
0xbc: {  	s31 =	sshll.u32 s1, $0xD;
	s1 =	sshrl.u32 s1, $0x2  }
0xbd: {  	s3 =	sand.u32 $0x4000, s31;
	s1 =	sadd.s32 s1, s30  }
0xbe: {  	s0 =	sor.u32 s3, s0;
	s1 =	sshll.u32 s1, $0x11  }
0xbf: {  	s0 =	sor.u32 s1, s0  }
0xc0: {  	s0 =	sadd.s32 $0x8F2B, s0  }
0xc1: {  	[sflag:s0] =	ssyncadd.remote.s32 $0x1  }
0xc2: {  	_ =	sfence.sel $0xFFFF  }
0xc3: {  	[dreg:$0x0] =	wrdreg $0xFFFFFFFF;
	(pc) =	sbr.abs _section_cstart, $3  }
0xc4: {  	[dreg:$0x1] =	wrdreg $0xFFFFFFFF  }
0xc5: {  	_ =	task.clear_ibuf [dreg:s9], $0x2FFFF;
	_ =	strace $0x9FFFFFFF  }
0xc6: {  	(tm) =	ssettm $0x7FFFFFFF  }
0xc7: {  	_ =	shalt  }
tec
execute0_lowered:
.L_overlay_start_1:
0x0: {  	(tag) =	ssettag $0x1  }
0x1: {  	s5 =	rddreg [dreg:$0x0]  }
0x2: {  	s1 =	rddreg [dreg:$0x1];
	s2 =	srdreg.scid  }
0x3: {  	s0 =	stileid.u32;
	s3 =	rddreg [dreg:$0x2]  }
0x4: {  	s7 =	rddreg [dreg:$0x3];
	s4 =	simm.s32 $0x0;
	s11 =	simm.s32 $0x81A0  }
0x5: {  	s12 =	simm.s32 $0x64;
	s13 =	simm.s32 $0x6800;
	s14 =	simm.s32 $0x7480  }
0x6: {  	s15 =	simm.s32 $0x1;
	s16 =	simm.s32 $0x8100;
	s17 =	simm.s32 $0x0  }
0x7: {  	s6 =	sand.u32 $0x1, s2;
	s31 =	sshll.u32 s0, $0x1;
	s2 =	rddreg [dreg:$0x4]  }
0x8: {  	[smem:$0x7FF] =	sst s4;
	s8 =	sor.u32 s6, s31;
	s6 =	ssub.s32 $0x2, s6  }
0x9: {  	s9 =	smul.u32 $0xD00, s8;
	s10 =	sshrl.u32 s6, $0x1;
	s8 =	sshll.u32 s8, $0x4  }
0xa: {  	_ =	strace $0x80000047;
	s10 =	ssub.s32 s6, s10;
	s7 =	sadd.s32 s7, s8  }
0xb: {  	s9 =	sadd.s32 s9, s5;
	s5 =	sadd.s32 $0xF42A00, s5;
	s8 =	smax.u32 s10, $0x1  }
0xc: {  	v0 =	vlaneseq.u32;
	s10 =	simm.s32 $0x8180;
	s6 =	sadd.s32 $0x600, s9;
	s9 =	simm.s32 $0x2  }
.LBB2_1:
0xd: {  	[tilespmem:s4], [sflag:$0x2] =	stream.linear.gather [hbm4b:s6+s4], $0x6800, $0x38;
	[tilespmem:$0x81B0] =	vst v63  }
0xe: {  	_ =	swait.ge [sflag:s9], $0x6800  }
0xf: {  	[sflag:s9] =	ssyncset.done $0x0  }
0x10: {  	[sflag:s9] =	ssyncadd.s32 $0xFFFF9800  }
0x11: {  	[tilespmem:s10], [sflag:$0x2] =	stream.linear.gather [hbm4b:s1+s4], $0x20, $0x38;
	[tilespmem:$0x81B0] =	vst v63  }
0x12: {  	_ =	swait.ge [sflag:s9], $0x20  }
0x13: {  	[sflag:s9] =	ssyncset.done $0x0  }
0x14: {  	[sflag:s9] =	ssyncadd.s32 $0xFFFFFFE0  }
0x15: {  	[tilespmem:s11], [sflag:$0x2] =	stream.linear.gather [hbm4b:s3+s4], $0x1, $0x38;
	[tilespmem:$0x81B0] =	vst v63  }
0x16: {  	_ =	swait.ge [sflag:s9], $0x1  }
0x17: {  	[sflag:s9] =	ssyncset.done $0x0  }
0x18: {  	[sflag:s9] =	ssyncadd.s32 $0xFFFFFFFF  }
0x19: {  	v1 =	vld [tilespmem:$0x81A0];
	_ =	sdelay $0x4  }
0x1a: {  	v3 =	vmul.f32 $6.250000000e-02, v1  }
0x1b: {  	v2 =	vld [tilespmem:$0x8190]  }
0x1c: {  	v4 =	vimm.f32 $0.0e+00;
	s18 =	simm.s32 $0x0;
	v1 =	vld [tilespmem:$0x8180];
	v3 =	vbroadcast v3, $0x0  }
.LBB2_2:
0x1d: {  	s19 =	smul.u32 $0x340, s18;
	_ =	sdelay $0x1  }
0x1e: {  	s19 =	sshra.s32 s19, $0x2  }
0x1f: {  	[tilespmem:s13], [sflag:$0x1] =	stream.indirect.gather [hbm4b:s5+s12], $0x20, s19, s12, $0xb8;
	[tilespmem:$0x81B0] =	vst v63  }
0x20: {  	s19 =	sadd.s32 $0x68, s19  }
0x21: {  	[tilespmem:s14], [sflag:$0x1] =	stream.indirect.gather [hbm4b:s5+s12], $0x20, s19, s12, $0xb8;
	[tilespmem:$0x81B0] =	vst v63  }
0x22: {  	_ =	swait.ge [sflag:s15], $0xC80  }
0x23: {  	[sflag:s15] =	ssyncset.done $0x0  }
0x24: {  	[sflag:s15] =	ssyncadd.s32 $0xFFFFF380  }
0x25: {  	_ =	swait.ge [sflag:s15], $0xC80  }
0x26: {  	[sflag:s15] =	ssyncset.done $0x0  }
0x27: {  	s19 =	simm.s32 $0x0;
	[sflag:s15] =	ssyncadd.s32 $0xFFFFF380  }
0x28: {  	v7 =	vld [tilespmem:s19+$0x7480]  }
0x29: {  	v9 =	vld [tilespmem:s19+$0x7490]  }
0x2a: {  	v8 =	vld [tilespmem:s19+$0x74A0]  }
0x2b: {  	v10 =	vld [tilespmem:s19+$0x74B0]  }
0x2c: {  	v5 =	vld [tilespmem:s19+$0x74C0]  }
0x2d: {  	v6 =	vld [tilespmem:s19+$0x74D0]  }
0x2e: {  	v23 =	vld [tilespmem:s19+$0x6800]  }
0x2f: {  	v25 =	vld [tilespmem:s19+$0x6810]  }
0x30: {  	v22 =	vld [tilespmem:s19+$0x6820]  }
0x31: {  	v24 =	vld [tilespmem:s19+$0x6830]  }
0x32: {  	v15 =	vimm.f32 $0.0e+00;
	v16 =	vimm.f32 $0.0e+00;
	v19 =	vld [tilespmem:s19+$0x6840]  }
0x33: {  	v17 =	vimm.f32 $0.0e+00;
	v18 =	vimm.f32 $0.0e+00;
	v11 =	vimm.f32 $0.0e+00;
	v20 =	vld [tilespmem:s19+$0x6850]  }
0x34: {  	s20 =	simm.s32 $0x200;
	v12 =	vimm.f32 $0.0e+00;
	v14 =	vimm.f32 $0.0e+00;
	v13 =	vimm.f32 $0.0e+00;
	v21 =	vld [tilespmem:s19+$0x6860]  }
.LBB2_3:
0x35: {  	p0 =	sne.s32 s20, $0x3000;
	v15 =	vadd.f32 v23, v15;
	v16 =	vadd.f32 v25, v16;
	v23 =	vld [tilespmem:s19+$0x6870]  }
0x36: {  	v17 =	vadd.f32 v22, v17;
	v18 =	vadd.f32 v24, v18;
	v22 =	vld [tilespmem:s19+$0x74E0]  }
0x37: {  	v15 =	vadd.f32 v7, v15;
	v16 =	vadd.f32 v9, v16;
	v24 =	vld [tilespmem:s19+$0x74F0];
	s19 =	sshra.s32 s20, $0x2  }
0x38: {  	v17 =	vadd.f32 v8, v17;
	v7 =	vld [tilespmem:s19+$0x7480];
	v18 =	vadd.f32 v10, v18  }
0x39: {  	v11 =	vadd.f32 v19, v11;
	v12 =	vadd.f32 v20, v12;
	v9 =	vld [tilespmem:s19+$0x7490]  }
0x3a: {  	v14 =	vadd.f32 v21, v14;
	v8 =	vld [tilespmem:s19+$0x74A0];
	v13 =	vadd.f32 v23, v13  }
0x3b: {  	v11 =	vadd.f32 v5, v11;
	v12 =	vadd.f32 v6, v12;
	v10 =	vld [tilespmem:s19+$0x74B0]  }
0x3c: {  	v14 =	vadd.f32 v22, v14;
	v5 =	vld [tilespmem:s19+$0x74C0];
	v13 =	vadd.f32 v24, v13  }
0x3d: {  	v6 =	vld [tilespmem:s19+$0x74D0]  }
0x3e: {  	v23 =	vld [tilespmem:s19+$0x6800]  }
0x3f: {  	v25 =	vld [tilespmem:s19+$0x6810]  }
.Ltmp0:
0x40: {  	v22 =	vld [tilespmem:s19+$0x6820];
	(pc) =	sbr.rel @p0 .LBB2_3-.Ltmp0, $4  }
0x41: {  	v24 =	vld [tilespmem:s19+$0x6830]  }
0x42: {  	v19 =	vld [tilespmem:s19+$0x6840]  }
0x43: {  	v20 =	vld [tilespmem:s19+$0x6850]  }
0x44: {  	s20 =	sadd.s32 $0x200, s20;
	v21 =	vld [tilespmem:s19+$0x6860]  }
0x45: {  	v15 =	vadd.f32 v23, v15;
	v16 =	vadd.f32 v25, v16;
	v58 =	vld [tilespmem:s19+$0x6870]  }
0x46: {  	v17 =	vadd.f32 v22, v17;
	v59 =	vld [tilespmem:s19+$0x74E0];
	v18 =	vadd.f32 v24, v18  }
0x47: {  	v60 =	vld [tilespmem:s19+$0x74F0];
	v7 =	vadd.f32 v7, v15;
	v9 =	vadd.f32 v9, v16  }
0x48: {  	v8 =	vadd.f32 v8, v17;
	v11 =	vadd.f32 v19, v11  }
0x49: {  	v10 =	vadd.f32 v10, v18;
	v12 =	vadd.f32 v20, v12  }
0x4a: {  	v14 =	vadd.f32 v21, v14;
	v13 =	vadd.f32 v58, v13  }
0x4b: {  	v5 =	vadd.f32 v5, v11;
	v6 =	vadd.f32 v6, v12  }
0x4c: {  	v61 =	vadd.f32 v59, v14;
	v62 =	vadd.f32 v60, v13  }
0x4d: {  	v7 =	vadd.f32 v8, v7;
	v63 =	vadd.f32 v10, v9  }
0x4e: {  	v5 =	vadd.f32 v61, v5;
	v6 =	vadd.f32 v62, v6;
	_ =	sdelay $0x1  }
0x4f: {  	v5 =	vadd.f32 v5, v7;
	v6 =	vadd.f32 v6, v63;
	_ =	sdelay $0x1  }
0x50: {  	v5 =	vmul.f32 v5, v1;
	v6 =	vmul.f32 v6, v2;
	_ =	sdelay $0x1  }
0x51: {  	v5 =	vadd.f32 v6, v5;
	_ =	sdelay $0x1  }
0x52: {  	v5 =	vmul.f32 $4.999999890e-03, v5;
	_ =	sdelay $0x1  }
0x53: {  	v5 =	vadd.f32 v5, v3;
	_ =	sdelay $0x1  }
0x54: {  	(xrf2) =	vadd.scan.msk.f32 $0xffff, v5;
	_ =	sdelay $0x5  }
0x55: {  	s31 =	sand.u32 $0xF, s18  }
0x56: {  	p0 =	sne.s32 s31, $0xF  }
0x57: {  	s19 =	sand.u32 @!p0 $0x70, s18;
	s18 =	sadd.s32 $0x1, s18  }
0x58: {  	p1 =	sne.s32 s18, $0x80  }
.Ltmp1:
0x59: {  	v5, _, _ =	vpop (xrf2);
	(pc) =	sbr.rel @p1 .LBB2_2-.Ltmp1, $4  }
0x5a: {  	v6 =	vmov s31;
	v5 =	vbroadcast v5, $0xF  }
0x5b: {  	vm0 =	veq.s32 v6, v0  }
0x5c: {  	v4 =	vsel vm0, v5, v4  }
0x5d: {  	[tilespmem:s19+$0x8100] =	vst @!p0 v4  }
0x5e: {  	s17 =	sadd.s32 $0x1, s17  }
0x5f: {  	p0 =	sne.s32 s17, s8  }
.Ltmp2:
0x60: {  	_ = 	snop;
	(pc) =	sbr.rel @p0 .LBB2_1-.Ltmp2, $4  }
0x61: {  	[hbm4b:s7+s4] =	stream.linear.scatter [tilespmem:s16], [sflag:$0x2], $0x80, $0x38;
	[tilespmem:$0x81B0] =	vst v63  }
0x62: {  	_ =	swait.ge [sflag:s9], $0x80  }
0x63: {  	[sflag:s9] =	ssyncset.done $0x0  }
0x64: {  	[sflag:s9] =	ssyncadd.s32 $0xFFFFFF80  }
0x65: {  	_ =	sfence.sel $0x180000  }
0x66: {  	[bflag:$0x0] =	sbarrier.arrive $0xFFFF  }
0x67: {  	p0 =	sne.s32 s0, $0x0;
	_ =	strace $0x90000047  }
0x68: {  	s0 =	sadd.s32 @!p0 $0x100000, s2;
	[bflag:$0x2] =	sbarrier.arrive $0xFFFF  }
0x69: {  	[sflag:s0] =	ssyncadd.tile.s32 @!p0 $0x1;
	_ =	shalt  }
.Lfunc_end2:
_tile_overlayer_lowered:
.L_overlay_start_2:
0x6a: {  	(tag) =	ssettag $0x2  }
0x6b: {  	s0 =	rddreg [dreg:$0x0];
	s2 =	stileid.u32  }
0x6c: {  	s1 =	rddreg [dreg:$0x1];
	p0 =	sne.s32 s2, $0x0  }
0x6d: {  	s3 =	rddreg [dreg:$0x2];
	[bflag:$0x3] =	sbarrier.arrive $0xFFFF;
	s2 =	simm.s32 @!p0 $0x1C02  }
0x6e: {  	[timem:s3], [sflag:s2] =	dma.local @!p0 [hbm:s0], s1  }
0x6f: {  	s0 =	simm.s32 @!p0 $0x2  }
0x70: {  	_ =	swait.ge @!p0 [sflag:s0], s1  }
0x71: {  	s1 =	ssub.s32 @!p0 $0x0, s1;
	[sflag:s0] =	ssyncset.done @!p0 $0x0  }
0x72: {  	[sflag:s0] =	ssyncadd.s32 @!p0 s1  }
0x73: {  	[bflag:$0x3] =	sbarrier.arrive $0xFFFF  }
0x74: {  	_ =	shalt  }

</sc_bundles>
